<compile_context>
chip_gen: v7x
topology: tpu7x:2x2x1
jax: 0.10.2.dev20260603
libtpu: 0.0.44.dev20260713+nightly
codegen_flags: <defaults>
</compile_context>

<pallas_src>
import functools

import jax
import jax.numpy as jnp
from jax import lax
from jax.experimental import pallas as pl
from jax.experimental.pallas import tpu as pltpu
from jax.experimental.pallas import tpu_sc as plsc

N_NODES = 10000
N_EDGES = 160000
D = 256
L = 4
ATOM_CLASSES = 100
BOND_CLASSES = 20
N_GRAPHS = 64

NC, NS = 2, 16
HALF = N_NODES // NC

G_CHUNK = 128
G_PER_TILE = N_EDGES // (NC * NS)
G_FULL = G_PER_TILE // G_CHUNK
G_TAIL = G_PER_TILE - G_FULL * G_CHUNK


def _sc_gather_body(table, src_hbm, tgt_hbm, src_out, tgt_out,
                    idx_v, rows_v, idx_t, rows_t, sem):
    c = lax.axis_index("c")
    s = lax.axis_index("s")
    base = (s * NC + c) * G_PER_TILE

    def one(idx_hbm, out_hbm, off, idx_buf, row_buf, n):
        pltpu.sync_copy(idx_hbm.at[pl.ds(off, n)], idx_buf)
        pltpu.async_copy(table.at[idx_buf], row_buf, sem).wait()
        pltpu.sync_copy(row_buf, out_hbm.at[pl.ds(off, n), :])

    def step(i, carry):
        off = base + i * G_CHUNK
        one(src_hbm, src_out, off, idx_v, rows_v, G_CHUNK)
        one(tgt_hbm, tgt_out, off, idx_v, rows_v, G_CHUNK)
        return carry

    lax.fori_loop(0, G_FULL, step, 0)
    off = base + G_FULL * G_CHUNK
    one(src_hbm, src_out, off, idx_t, rows_t, G_TAIL)
    one(tgt_hbm, tgt_out, off, idx_t, rows_t, G_TAIL)


@jax.jit
def _sc_gather(table, src_idx, tgt_idx):
    mesh = plsc.VectorSubcoreMesh(core_axis_name="c", subcore_axis_name="s")
    f = pl.kernel(
        _sc_gather_body,
        out_type=(jax.ShapeDtypeStruct((N_EDGES, D), jnp.float32),
                  jax.ShapeDtypeStruct((N_EDGES, D), jnp.float32)),
        mesh=mesh,
        scratch_types=[
            pltpu.VMEM((G_CHUNK,), jnp.int32),
            pltpu.VMEM((G_CHUNK, D), jnp.float32),
            pltpu.VMEM((G_TAIL,), jnp.int32),
            pltpu.VMEM((G_TAIL, D), jnp.float32),
            pltpu.SemaphoreType.DMA,
        ],
    )
    return f(table, src_idx, tgt_idx)


S_CHUNK = 1280
S_STEPS = N_EDGES // S_CHUNK
ACC_COLS = 5120
CW = 16
OHP = ACC_COLS


def _splat(v, j):
    idx = jnp.full((16,), j, dtype=jnp.int32)
    return lax.gather(
        v, idx[:, None],
        lax.GatherDimensionNumbers(offset_dims=(), collapsed_slice_dims=(0,),
                                   start_index_map=(0,)),
        (1,), mode=lax.GatherScatterMode.PROMISE_IN_BOUNDS)


def _sc_scatter_body(msgT_hbm, tgt_hbm, zeros_hbm, out_hbm,
                     acc, idx_v, buf, sem):
    c = lax.axis_index("c")
    s = lax.axis_index("s")
    pltpu.sync_copy(zeros_hbm, acc)
    nbase = c * HALF
    iota = lax.iota(jnp.int32, 16)
    dummy = HALF + (iota & 7)
    rowoff = iota * S_CHUNK
    accoff = iota * ACC_COLS

    def step(k, carry):
        off = k * S_CHUNK
        pltpu.sync_copy(tgt_hbm.at[pl.ds(off, S_CHUNK)], idx_v)
        copies = [
            pltpu.make_async_copy(
                msgT_hbm.at[s * CW + f, pl.ds(off, S_CHUNK)],
                buf.at[pl.ds(f * S_CHUNK, S_CHUNK)], sem)
            for f in range(CW)
        ]
        for d in copies:
            d.start()
        for d in copies:
            d.wait()

        def grp(g, carry2):
            tv = idx_v[pl.ds(g * 16, 16)]
            lv = tv - nbase
            ok = (lv >= 0) & (lv < HALF)
            lv = jnp.where(ok, lv, dummy)
            for j in range(16):
                col = jnp.broadcast_to(g * 16 + j, (16,)).astype(jnp.int32)
                val = plsc.load_gather(buf, [rowoff + col])
                plsc.addupdate_scatter(acc, [accoff + _splat(lv, j)], val)
            return carry2

        lax.fori_loop(0, S_CHUNK // 16, grp, 0)
        return carry

    lax.fori_loop(0, S_STEPS, step, 0)
    for f in range(CW):
        pltpu.sync_copy(acc.at[pl.ds(f * ACC_COLS, ACC_COLS)],
                        out_hbm.at[s * CW + f, pl.ds(c * OHP, ACC_COLS)])


@jax.jit
def _sc_scatter(msgT, tgt_idx, zeros):
    mesh = plsc.VectorSubcoreMesh(core_axis_name="c", subcore_axis_name="s")
    f = pl.kernel(
        _sc_scatter_body,
        out_type=jax.ShapeDtypeStruct((D, 2 * OHP), jnp.float32),
        mesh=mesh,
        compiler_params=pltpu.CompilerParams(needs_layout_passes=False),
        scratch_types=[
            pltpu.VMEM((CW * ACC_COLS,), jnp.float32),
            pltpu.VMEM((S_CHUNK,), jnp.int32),
            pltpu.VMEM((CW * S_CHUNK,), jnp.float32),
            pltpu.SemaphoreType.DMA,
        ],
    )
    o = f(msgT, tgt_idx, zeros)
    return jnp.concatenate([o[:, :HALF], o[:, OHP:OHP + HALF]], axis=1).T


BN_BLK = 1000
HI = jax.lax.Precision.HIGHEST


def _node0_body(types_ref, emb_ref, s_ref, t_ref, state_out, abn_out):
    ty = types_ref[:, 0]
    oh = (ty[:, None] == lax.broadcasted_iota(jnp.int32, (BN_BLK, ATOM_CLASSES), 1)
          ).astype(jnp.float32)
    st = jnp.dot(oh, emb_ref[...], precision=HI)
    state_out[...] = st
    abn_out[...] = st * s_ref[...] + t_ref[...]


def _noden_body(prev_ref, agg_ref, s_ref, t_ref, state_out, abn_out):
    st = prev_ref[...] + agg_ref[...]
    state_out[...] = st
    abn_out[...] = st * s_ref[...] + t_ref[...]


def _node0(atom_types2, atom_emb, s_vec, t_vec):
    grid = N_NODES // BN_BLK
    return pl.pallas_call(
        _node0_body,
        grid=(grid,),
        in_specs=[
            pl.BlockSpec((BN_BLK, 1), lambda i: (i, 0)),
            pl.BlockSpec((ATOM_CLASSES, D), lambda i: (0, 0)),
            pl.BlockSpec((1, D), lambda i: (0, 0)),
            pl.BlockSpec((1, D), lambda i: (0, 0)),
        ],
        out_specs=[
            pl.BlockSpec((BN_BLK, D), lambda i: (i, 0)),
            pl.BlockSpec((BN_BLK, D), lambda i: (i, 0)),
        ],
        out_shape=[jax.ShapeDtypeStruct((N_NODES, D), jnp.float32)] * 2,
    )(atom_types2, atom_emb, s_vec, t_vec)


def _noden(prev, agg, s_vec, t_vec):
    grid = N_NODES // BN_BLK
    return pl.pallas_call(
        _noden_body,
        grid=(grid,),
        in_specs=[
            pl.BlockSpec((BN_BLK, D), lambda i: (i, 0)),
            pl.BlockSpec((BN_BLK, D), lambda i: (i, 0)),
            pl.BlockSpec((1, D), lambda i: (0, 0)),
            pl.BlockSpec((1, D), lambda i: (0, 0)),
        ],
        out_specs=[
            pl.BlockSpec((BN_BLK, D), lambda i: (i, 0)),
            pl.BlockSpec((BN_BLK, D), lambda i: (i, 0)),
        ],
        out_shape=[jax.ShapeDtypeStruct((N_NODES, D), jnp.float32)] * 2,
    )(prev, agg, s_vec, t_vec)


BE_BLK = 640


def _edge_core(braw, src_ref, tgt_ref, w1s, w1t, w1b, w2, b2, au, sb, tb,
               msg_out, bond_out):
    sf = src_ref[...].astype(jnp.bfloat16)
    tf = tgt_ref[...].astype(jnp.bfloat16)
    bbn = (braw * sb[...] + tb[...]).astype(jnp.bfloat16)
    acc = (jnp.dot(sf, w1s[...], preferred_element_type=jnp.float32)
           + jnp.dot(tf, w1t[...], preferred_element_type=jnp.float32)
           + jnp.dot(bbn, w1b[...], preferred_element_type=jnp.float32))
    h = jax.nn.sigmoid(acc).astype(jnp.bfloat16)
    nb = jnp.dot(h, w2[...], preferred_element_type=jnp.float32) + b2[...]
    u = jax.nn.sigmoid(jnp.dot(sf, au[...], preferred_element_type=jnp.float32))
    msg_out[...] = (u * nb).T
    if bond_out is not None:
        bond_out[...] = braw + nb


def _edge0_body(btypes_ref, bemb_ref, src_ref, tgt_ref, w1s, w1t, w1b, w2, b2,
                au, sb, tb, msg_out, bond_out):
    ty = btypes_ref[:, 0]
    oh = (ty[:, None] == lax.broadcasted_iota(jnp.int32, (BE_BLK, BOND_CLASSES), 1)
          ).astype(jnp.float32)
    braw = jnp.dot(oh, bemb_ref[...], precision=HI)
    _edge_core(braw, src_ref, tgt_ref, w1s, w1t, w1b, w2, b2, au, sb, tb,
               msg_out, bond_out)


def _edgen_body(bond_ref, src_ref, tgt_ref, w1s, w1t, w1b, w2, b2, au, sb, tb,
                msg_out, bond_out):
    _edge_core(bond_ref[...], src_ref, tgt_ref, w1s, w1t, w1b, w2, b2, au, sb,
               tb, msg_out, bond_out)


def _edge_wspecs():
    return [
        pl.BlockSpec((D, 2 * D), lambda i: (0, 0)),
        pl.BlockSpec((D, 2 * D), lambda i: (0, 0)),
        pl.BlockSpec((D, 2 * D), lambda i: (0, 0)),
        pl.BlockSpec((2 * D, D), lambda i: (0, 0)),
        pl.BlockSpec((1, D), lambda i: (0, 0)),
        pl.BlockSpec((D, D), lambda i: (0, 0)),
        pl.BlockSpec((1, D), lambda i: (0, 0)),
        pl.BlockSpec((1, D), lambda i: (0, 0)),
    ]


def _final_body(state_ref, agg_ref, ngi_ref, w0, b0, w1, b1, wl, bl,
                out_ref, acc):
    i = pl.program_id(0)

    @pl.when(i == 0)
    def _():
        acc[...] = jnp.zeros_like(acc)

    st = state_ref[...] + agg_ref[...]
    g = ngi_ref[:, 0]
    oh = (g[:, None] == lax.broadcasted_iota(jnp.int32, (BN_BLK, N_GRAPHS), 1)
          ).astype(jnp.float32)
    acc[...] += lax.dot_general(oh, st, (((0,), (0,)), ((), ())), precision=HI)

    @pl.when(i == pl.num_programs(0) - 1)
    def _():
        mol = acc[...]
        m = jax.nn.relu(jnp.dot(mol, w0[...], precision=HI) + b0[...])
        m = jax.nn.relu(jnp.dot(m, w1[...], precision=HI) + b1[...])
        out_ref[...] = jnp.dot(m, wl[...], precision=HI) + bl[...]


def _final(state, agg, ngi2, w0, b0, w1, b1, wl, bl):
    grid = N_NODES // BN_BLK
    return pl.pallas_call(
        _final_body,
        grid=(grid,),
        in_specs=[
            pl.BlockSpec((BN_BLK, D), lambda i: (i, 0)),
            pl.BlockSpec((BN_BLK, D), lambda i: (i, 0)),
            pl.BlockSpec((BN_BLK, 1), lambda i: (i, 0)),
            pl.BlockSpec((D, 256), lambda i: (0, 0)),
            pl.BlockSpec((1, 256), lambda i: (0, 0)),
            pl.BlockSpec((256, 128), lambda i: (0, 0)),
            pl.BlockSpec((1, 128), lambda i: (0, 0)),
            pl.BlockSpec((128, 1), lambda i: (0, 0)),
            pl.BlockSpec((1, 1), lambda i: (0, 0)),
        ],
        out_specs=pl.BlockSpec((N_GRAPHS, 1), lambda i: (0, 0)),
        out_shape=jax.ShapeDtypeStruct((N_GRAPHS, 1), jnp.float32),
        scratch_shapes=[pltpu.VMEM((N_GRAPHS, D), jnp.float32)],
    )(state, agg, ngi2, w0, b0, w1, b1, wl, bl)


def kernel(atom_types, bond_types, node_graph_indices, connectivity, atom_emb,
           bond_emb, atom_bn_gamma, atom_bn_beta, atom_bn_mean, atom_bn_var,
           bond_bn_gamma, bond_bn_beta, bond_bn_mean, bond_bn_var, bu1_W,
           bu2_W, bu2_b, au_W, out0_W, out0_b, out1_W, out1_b, last_W, last_b):
    eps = 1e-3
    sa = atom_bn_gamma / jnp.sqrt(atom_bn_var + eps)
    ta = atom_bn_beta - atom_bn_mean * sa
    sb = bond_bn_gamma / jnp.sqrt(bond_bn_var + eps)
    tb = bond_bn_beta - bond_bn_mean * sb

    tgt_idx = connectivity[:, 0]
    src_idx = connectivity[:, 1]
    zeros = jnp.zeros((CW * ACC_COLS,), jnp.float32)

    at2 = atom_types.reshape(N_NODES, 1)
    bt2 = bond_types.reshape(N_EDGES, 1)
    ngi2 = node_graph_indices.reshape(N_NODES, 1)

    w1s = [bu1_W[i, :D].astype(jnp.bfloat16) for i in range(L)]
    w1t = [bu1_W[i, D:2 * D].astype(jnp.bfloat16) for i in range(L)]
    w1b = [bu1_W[i, 2 * D:].astype(jnp.bfloat16) for i in range(L)]
    w2 = [bu2_W[i].astype(jnp.bfloat16) for i in range(L)]
    au = [au_W[i].astype(jnp.bfloat16) for i in range(L)]
    b2 = [bu2_b[i].reshape(1, D) for i in range(L)]
    sbv = [sb[i].reshape(1, D) for i in range(L)]
    tbv = [tb[i].reshape(1, D) for i in range(L)]
    sav = [sa[i].reshape(1, D) for i in range(L)]
    tav = [ta[i].reshape(1, D) for i in range(L)]

    eb = pl.BlockSpec((BE_BLK, D), lambda i: (i, 0))
    grid_e = N_EDGES // BE_BLK

    state, abn = _node0(at2, atom_emb, sav[0], tav[0])
    bond = None
    agg = None
    for i in range(L):
        if i > 0:
            state, abn = _noden(state, agg, sav[i], tav[i])
        src_rows, tgt_rows = _sc_gather(abn, src_idx, tgt_idx)
        first = (i == 0)
        want_bond = (i < L - 1)
        if first:
            lead_args = [bt2, bond_emb]
            lead_specs = [pl.BlockSpec((BE_BLK, 1), lambda i: (i, 0)),
                          pl.BlockSpec((BOND_CLASSES, D), lambda i: (0, 0))]
            body = _edge0_body
        else:
            lead_args = [bond]
            lead_specs = [eb]
            body = _edgen_body
        ebT = pl.BlockSpec((D, BE_BLK), lambda i: (0, i))
        if want_bond:
            fn = body
            out_specs = [ebT, eb]
            out_shape = [jax.ShapeDtypeStruct((D, N_EDGES), jnp.float32),
                         jax.ShapeDtypeStruct((N_EDGES, D), jnp.float32)]
        else:
            def fn(*args, _body=body):
                _body(*args, None)
            out_specs = [ebT]
            out_shape = [jax.ShapeDtypeStruct((D, N_EDGES), jnp.float32)]
        res = pl.pallas_call(
            fn,
            grid=(grid_e,),
            in_specs=lead_specs + [eb, eb] + _edge_wspecs(),
            out_specs=out_specs,
            out_shape=out_shape,
        )(*lead_args, src_rows, tgt_rows, w1s[i], w1t[i], w1b[i], w2[i],
          b2[i], au[i], sbv[i], tbv[i])
        if want_bond:
            msg, bond = res
        else:
            msg, = res
        agg = _sc_scatter(msg, tgt_idx, zeros)

    return _final(state, agg, ngi2,
                  out0_W, out0_b.reshape(1, 256),
                  out1_W, out1_b.reshape(1, 128),
                  last_W, last_b.reshape(1, 1))

# --- scband reference (transcript-rebuilt; emitter-appended) ---
"""Pipeline reference for scband-graph-network-24232205484463 (READ-ONLY COPY).

The authoritative reference and input builder live on the scoring server;
editing this copy changes nothing except your own understanding.
"""

import jax, jax.numpy as jnp
import numpy as np

N_NODES = 10000
N_EDGES = 160000
D = 256
L = 4
ATOM_CLASSES = 100
BOND_CLASSES = 20
N_GRAPHS = 64


def setup_inputs(seed: int = 0):
    key = jax.random.key(seed)
    ks = jax.random.split(key, 16)
    inp = {}
    inp["atom_types"] = jax.random.randint(ks[0], (N_NODES,), 0, ATOM_CLASSES, dtype=jnp.int32)
    inp["bond_types"] = jax.random.randint(ks[1], (N_EDGES,), 0, BOND_CLASSES, dtype=jnp.int32)
    inp["node_graph_indices"] = jnp.sort(jax.random.randint(ks[2], (N_NODES,), 0, N_GRAPHS, dtype=jnp.int32))
    inp["connectivity"] = jax.random.randint(ks[3], (N_EDGES, 2), 0, N_NODES, dtype=jnp.int32)
    inp["atom_emb"] = jax.random.normal(ks[4], (ATOM_CLASSES, D), dtype=jnp.float32) * 0.05
    inp["bond_emb"] = jax.random.normal(ks[5], (BOND_CLASSES, D), dtype=jnp.float32) * 0.05
    inp["atom_bn_gamma"] = jnp.ones((L, D), jnp.float32)
    inp["atom_bn_beta"] = jnp.zeros((L, D), jnp.float32)
    inp["atom_bn_mean"] = jnp.zeros((L, D), jnp.float32)
    inp["atom_bn_var"] = jnp.ones((L, D), jnp.float32)
    inp["bond_bn_gamma"] = jnp.ones((L, D), jnp.float32)
    inp["bond_bn_beta"] = jnp.zeros((L, D), jnp.float32)
    inp["bond_bn_mean"] = jnp.zeros((L, D), jnp.float32)
    inp["bond_bn_var"] = jnp.ones((L, D), jnp.float32)
    inp["bu1_W"] = jax.random.normal(ks[6], (L, 3 * D, 2 * D), dtype=jnp.float32) * 0.02
    inp["bu2_W"] = jax.random.normal(ks[7], (L, 2 * D, D), dtype=jnp.float32) * 0.02
    inp["bu2_b"] = jnp.zeros((L, D), jnp.float32)
    inp["au_W"] = jax.random.normal(ks[8], (L, D, D), dtype=jnp.float32) * 0.02
    inp["out0_W"] = jax.random.normal(ks[9], (D, 256), dtype=jnp.float32) * 0.02
    inp["out0_b"] = jnp.zeros((256,), jnp.float32)
    inp["out1_W"] = jax.random.normal(ks[10], (256, 128), dtype=jnp.float32) * 0.02
    inp["out1_b"] = jnp.zeros((128,), jnp.float32)
    inp["last_W"] = jax.random.normal(ks[11], (128, 1), dtype=jnp.float32) * 0.02
    inp["last_b"] = jnp.zeros((1,), jnp.float32)
    return inp


def _bn(x, gamma, beta, mean, var, eps=1e-3):
    return (x - mean) / jnp.sqrt(var + eps) * gamma + beta


def reference(atom_types, bond_types, node_graph_indices, connectivity, atom_emb, bond_emb, atom_bn_gamma, atom_bn_beta, atom_bn_mean, atom_bn_var, bond_bn_gamma, bond_bn_beta, bond_bn_mean, bond_bn_var, bu1_W, bu2_W, bu2_b, au_W, out0_W, out0_b, out1_W, out1_b, last_W, last_b):
    atom_state = atom_emb[atom_types]
    bond_state = bond_emb[bond_types]
    tgt_idx = connectivity[:, 0]
    src_idx = connectivity[:, 1]
    for i in range(L):
        a = _bn(atom_state, atom_bn_gamma[i], atom_bn_beta[i], atom_bn_mean[i], atom_bn_var[i])
        b = _bn(bond_state, bond_bn_gamma[i], bond_bn_beta[i], bond_bn_mean[i], bond_bn_var[i])
        target_atom = a[tgt_idx]
        source_atom = a[src_idx]
        new_bond = jnp.concatenate([source_atom, target_atom, b], axis=1)
        new_bond = jax.nn.sigmoid(new_bond @ bu1_W[i])
        new_bond = new_bond @ bu2_W[i] + bu2_b[i]
        src_u = jax.nn.sigmoid(source_atom @ au_W[i])
        messages = src_u * new_bond
        messages = jax.ops.segment_sum(messages, tgt_idx, num_segments=N_NODES)
        bond_state = bond_state + new_bond
        atom_state = atom_state + messages
    mol = jax.ops.segment_sum(atom_state, node_graph_indices, num_segments=N_GRAPHS)
    mol = jax.nn.relu(mol @ out0_W + out0_b)
    mol = jax.nn.relu(mol @ out1_W + out1_b)
    out = mol @ last_W + last_b
    return out

if __name__ == "__main__":
    import jax
    _d = setup_inputs()
    print(jax.jit(kernel)(*tuple(_d.values())))

</pallas_src>

<mosaic_0001>
#map = affine_map<(d0, d1) -> (0, 0)>
#map1 = affine_map<(d0, d1) -> (0)>
module attributes {stable_mosaic.version = 14 : i64} {
  func.func @_sc_gather_body(%arg0: i32, %arg1: i32, %arg2: memref<10000x256xf32, #tpu.memory_space<hbm>>, %arg3: memref<160000xi32, #tpu.memory_space<hbm>>, %arg4: memref<160000xi32, #tpu.memory_space<hbm>>, %arg5: memref<160000x256xf32, #tpu.memory_space<hbm>>, %arg6: memref<160000x256xf32, #tpu.memory_space<hbm>>, %arg7: memref<128xi32, #tpu.memory_space<vmem>>, %arg8: memref<128x256xf32, #tpu.memory_space<vmem>>, %arg9: memref<8xi32, #tpu.memory_space<vmem>>, %arg10: memref<8x256xf32, #tpu.memory_space<vmem>>, %arg11: memref<!tpu.dma_semaphore, #tpu.memory_space<semaphore_mem>>) attributes {dimension_semantics = [#tpu.dimension_semantics<core_parallel>, #tpu.dimension_semantics<subcore_parallel>], iteration_bounds = array<i64: 2, 16>, scalar_prefetch = 0 : i64, scratch_operands = 5 : i64, tpu.core_type = #tpu.core_type<sc_vector_subcore>, window_params = [{transform_indices = #map}, {transform_indices = #map1}, {transform_indices = #map1}, {transform_indices = #map}, {transform_indices = #map}]} {
    %mul3A = arith.constant 2 : i32
    %mul3A_0 = arith.muli %arg1, %mul3A : i32
    %add3A = arith.addi %mul3A_0, %arg0 : i32
    %mul3A_1 = arith.constant 5000 : i32
    %mul3A_2 = arith.muli %add3A, %mul3A_1 : i32
    %scan3A = arith.constant 0 : i32
    %scan3A_3 = arith.constant 0 : i32
    %scan3A_4 = arith.constant 39 : i32
    %scan3A_5 = arith.addi %scan3A_3, %scan3A_4 : i32
    %scan3A_6 = arith.constant 1 : i32
    scf.for %scan3A_20 = %scan3A_3 to %scan3A_5 step %scan3A_6  : i32 {
      %mul3A_21 = arith.constant 128 : i32
      %mul3A_22 = arith.muli %scan3A_20, %mul3A_21 : i32
      %add3A_23 = arith.addi %mul3A_2, %mul3A_22 : i32
      "tpu.region"() ({
        %run_scoped3A = tpu.sem_alloc : memref<!tpu.dma_semaphore, #tpu.memory_space<semaphore_mem>>
        %dma_start3A_36 = tpu.memref_slice %arg3[%add3A_23] : memref<160000xi32, #tpu.memory_space<hbm>> -> memref<128xi32, #tpu.memory_space<hbm>>
        %dma_start3A_37 = tpu.memref_slice %arg3[%add3A_23] : memref<160000xi32, #tpu.memory_space<hbm>> -> memref<128xi32, #tpu.memory_space<hbm>>
        tpu.enqueue_dma source(%dma_start3A_37 : memref<128xi32, #tpu.memory_space<hbm>>) target(%arg7 : memref<128xi32, #tpu.memory_space<vmem>>) target_semaphore(%run_scoped3A : memref<!tpu.dma_semaphore, #tpu.memory_space<semaphore_mem>>)
        %dma_wait3A_38 = tpu.memref_slice %arg3[%add3A_23] : memref<160000xi32, #tpu.memory_space<hbm>> -> memref<128xi32, #tpu.memory_space<hbm>>
        %dma_wait3A_39 = tpu.memref_slice %arg3[%add3A_23] : memref<160000xi32, #tpu.memory_space<hbm>> -> memref<128xi32, #tpu.memory_space<hbm>>
        tpu.wait_dma2 semaphore(%run_scoped3A : memref<!tpu.dma_semaphore, #tpu.memory_space<semaphore_mem>>) src(%dma_wait3A_39 : memref<128xi32, #tpu.memory_space<hbm>>) dst(%arg7 : memref<128xi32, #tpu.memory_space<vmem>>)
        tpu.yield
      }) : () -> ()
      %dma_start3A_24 = arith.constant 0 : i32
      %dma_start3A_25 = arith.constant 0 : i32
      %dma_start3A_26 = tpu.memref_slice %arg2[%dma_start3A_24, %dma_start3A_25] : memref<10000x256xf32, #tpu.memory_space<hbm>> -> memref<10000x256xf32, #tpu.memory_space<hbm>>
      tpu.enqueue_indirect_dma source(%dma_start3A_26 : memref<10000x256xf32, #tpu.memory_space<hbm>>) target(%arg8 : memref<128x256xf32, #tpu.memory_space<vmem>>) offsets(%arg7 : memref<128xi32, #tpu.memory_space<vmem>>) semaphore(%arg11 : memref<!tpu.dma_semaphore, #tpu.memory_space<semaphore_mem>>)
      %dma_wait3A_27 = arith.constant 0 : i32
      %dma_wait3A_28 = arith.constant 0 : i32
      %dma_wait3A_29 = tpu.memref_slice %arg2[%dma_wait3A_27, %dma_wait3A_28] : memref<10000x256xf32, #tpu.memory_space<hbm>> -> memref<10000x256xf32, #tpu.memory_space<hbm>>
      tpu.wait_indirect_dma semaphore(%arg11 : memref<!tpu.dma_semaphore, #tpu.memory_space<semaphore_mem>>) src(%dma_wait3A_29 : memref<10000x256xf32, #tpu.memory_space<hbm>>) dst(%arg8 : memref<128x256xf32, #tpu.memory_space<vmem>>)
      "tpu.region"() ({
        %run_scoped3A = tpu.sem_alloc : memref<!tpu.dma_semaphore, #tpu.memory_space<semaphore_mem>>
        %dma_start3A_36 = arith.constant 0 : i32
        %dma_start3A_37 = tpu.memref_slice %arg5[%add3A_23, %dma_start3A_36] : memref<160000x256xf32, #tpu.memory_space<hbm>> -> memref<128x256xf32, #tpu.memory_space<hbm>>
        %dma_start3A_38 = arith.constant 0 : i32
        %dma_start3A_39 = tpu.memref_slice %arg5[%add3A_23, %dma_start3A_38] : memref<160000x256xf32, #tpu.memory_space<hbm>> -> memref<128x256xf32, #tpu.memory_space<hbm>>
        tpu.enqueue_dma source(%arg8 : memref<128x256xf32, #tpu.memory_space<vmem>>) target(%dma_start3A_39 : memref<128x256xf32, #tpu.memory_space<hbm>>) target_semaphore(%run_scoped3A : memref<!tpu.dma_semaphore, #tpu.memory_space<semaphore_mem>>)
        %dma_wait3A_40 = arith.constant 0 : i32
        %dma_wait3A_41 = tpu.memref_slice %arg5[%add3A_23, %dma_wait3A_40] : memref<160000x256xf32, #tpu.memory_space<hbm>> -> memref<128x256xf32, #tpu.memory_space<hbm>>
        %dma_wait3A_42 = arith.constant 0 : i32
        %dma_wait3A_43 = tpu.memref_slice %arg5[%add3A_23, %dma_wait3A_42] : memref<160000x256xf32, #tpu.memory_space<hbm>> -> memref<128x256xf32, #tpu.memory_space<hbm>>
        tpu.wait_dma2 semaphore(%run_scoped3A : memref<!tpu.dma_semaphore, #tpu.memory_space<semaphore_mem>>) src(%arg8 : memref<128x256xf32, #tpu.memory_space<vmem>>) dst(%dma_wait3A_43 : memref<128x256xf32, #tpu.memory_space<hbm>>)
        tpu.yield
      }) : () -> ()
      "tpu.region"() ({
        %run_scoped3A = tpu.sem_alloc : memref<!tpu.dma_semaphore, #tpu.memory_space<semaphore_mem>>
        %dma_start3A_36 = tpu.memref_slice %arg4[%add3A_23] : memref<160000xi32, #tpu.memory_space<hbm>> -> memref<128xi32, #tpu.memory_space<hbm>>
        %dma_start3A_37 = tpu.memref_slice %arg4[%add3A_23] : memref<160000xi32, #tpu.memory_space<hbm>> -> memref<128xi32, #tpu.memory_space<hbm>>
        tpu.enqueue_dma source(%dma_start3A_37 : memref<128xi32, #tpu.memory_space<hbm>>) target(%arg7 : memref<128xi32, #tpu.memory_space<vmem>>) target_semaphore(%run_scoped3A : memref<!tpu.dma_semaphore, #tpu.memory_space<semaphore_mem>>)
        %dma_wait3A_38 = tpu.memref_slice %arg4[%add3A_23] : memref<160000xi32, #tpu.memory_space<hbm>> -> memref<128xi32, #tpu.memory_space<hbm>>
        %dma_wait3A_39 = tpu.memref_slice %arg4[%add3A_23] : memref<160000xi32, #tpu.memory_space<hbm>> -> memref<128xi32, #tpu.memory_space<hbm>>
        tpu.wait_dma2 semaphore(%run_scoped3A : memref<!tpu.dma_semaphore, #tpu.memory_space<semaphore_mem>>) src(%dma_wait3A_39 : memref<128xi32, #tpu.memory_space<hbm>>) dst(%arg7 : memref<128xi32, #tpu.memory_space<vmem>>)
        tpu.yield
      }) : () -> ()
      %dma_start3A_30 = arith.constant 0 : i32
      %dma_start3A_31 = arith.constant 0 : i32
      %dma_start3A_32 = tpu.memref_slice %arg2[%dma_start3A_30, %dma_start3A_31] : memref<10000x256xf32, #tpu.memory_space<hbm>> -> memref<10000x256xf32, #tpu.memory_space<hbm>>
      tpu.enqueue_indirect_dma source(%dma_start3A_32 : memref<10000x256xf32, #tpu.memory_space<hbm>>) target(%arg8 : memref<128x256xf32, #tpu.memory_space<vmem>>) offsets(%arg7 : memref<128xi32, #tpu.memory_space<vmem>>) semaphore(%arg11 : memref<!tpu.dma_semaphore, #tpu.memory_space<semaphore_mem>>)
      %dma_wait3A_33 = arith.constant 0 : i32
      %dma_wait3A_34 = arith.constant 0 : i32
      %dma_wait3A_35 = tpu.memref_slice %arg2[%dma_wait3A_33, %dma_wait3A_34] : memref<10000x256xf32, #tpu.memory_space<hbm>> -> memref<10000x256xf32, #tpu.memory_space<hbm>>
      tpu.wait_indirect_dma semaphore(%arg11 : memref<!tpu.dma_semaphore, #tpu.memory_space<semaphore_mem>>) src(%dma_wait3A_35 : memref<10000x256xf32, #tpu.memory_space<hbm>>) dst(%arg8 : memref<128x256xf32, #tpu.memory_space<vmem>>)
      "tpu.region"() ({
        %run_scoped3A = tpu.sem_alloc : memref<!tpu.dma_semaphore, #tpu.memory_space<semaphore_mem>>
        %dma_start3A_36 = arith.constant 0 : i32
        %dma_start3A_37 = tpu.memref_slice %arg6[%add3A_23, %dma_start3A_36] : memref<160000x256xf32, #tpu.memory_space<hbm>> -> memref<128x256xf32, #tpu.memory_space<hbm>>
        %dma_start3A_38 = arith.constant 0 : i32
        %dma_start3A_39 = tpu.memref_slice %arg6[%add3A_23, %dma_start3A_38] : memref<160000x256xf32, #tpu.memory_space<hbm>> -> memref<128x256xf32, #tpu.memory_space<hbm>>
        tpu.enqueue_dma source(%arg8 : memref<128x256xf32, #tpu.memory_space<vmem>>) target(%dma_start3A_39 : memref<128x256xf32, #tpu.memory_space<hbm>>) target_semaphore(%run_scoped3A : memref<!tpu.dma_semaphore, #tpu.memory_space<semaphore_mem>>)
        %dma_wait3A_40 = arith.constant 0 : i32
        %dma_wait3A_41 = tpu.memref_slice %arg6[%add3A_23, %dma_wait3A_40] : memref<160000x256xf32, #tpu.memory_space<hbm>> -> memref<128x256xf32, #tpu.memory_space<hbm>>
        %dma_wait3A_42 = arith.constant 0 : i32
        %dma_wait3A_43 = tpu.memref_slice %arg6[%add3A_23, %dma_wait3A_42] : memref<160000x256xf32, #tpu.memory_space<hbm>> -> memref<128x256xf32, #tpu.memory_space<hbm>>
        tpu.wait_dma2 semaphore(%run_scoped3A : memref<!tpu.dma_semaphore, #tpu.memory_space<semaphore_mem>>) src(%arg8 : memref<128x256xf32, #tpu.memory_space<vmem>>) dst(%dma_wait3A_43 : memref<128x256xf32, #tpu.memory_space<hbm>>)
        tpu.yield
      }) : () -> ()
    }
    %scan3A_7 = arith.constant 39 : i32
    %add3A_8 = arith.constant 4992 : i32
    %add3A_9 = arith.addi %mul3A_2, %add3A_8 : i32
    "tpu.region"() ({
      %run_scoped3A = tpu.sem_alloc : memref<!tpu.dma_semaphore, #tpu.memory_space<semaphore_mem>>
      %dma_start3A_20 = tpu.memref_slice %arg3[%add3A_9] : memref<160000xi32, #tpu.memory_space<hbm>> -> memref<8xi32, #tpu.memory_space<hbm>>
      %dma_start3A_21 = tpu.memref_slice %arg3[%add3A_9] : memref<160000xi32, #tpu.memory_space<hbm>> -> memref<8xi32, #tpu.memory_space<hbm>>
      tpu.enqueue_dma source(%dma_start3A_21 : memref<8xi32, #tpu.memory_space<hbm>>) target(%arg9 : memref<8xi32, #tpu.memory_space<vmem>>) target_semaphore(%run_scoped3A : memref<!tpu.dma_semaphore, #tpu.memory_space<semaphore_mem>>)
      %dma_wait3A_22 = tpu.memref_slice %arg3[%add3A_9] : memref<160000xi32, #tpu.memory_space<hbm>> -> memref<8xi32, #tpu.memory_space<hbm>>
      %dma_wait3A_23 = tpu.memref_slice %arg3[%add3A_9] : memref<160000xi32, #tpu.memory_space<hbm>> -> memref<8xi32, #tpu.memory_space<hbm>>
      tpu.wait_dma2 semaphore(%run_scoped3A : memref<!tpu.dma_semaphore, #tpu.memory_space<semaphore_mem>>) src(%dma_wait3A_23 : memref<8xi32, #tpu.memory_space<hbm>>) dst(%arg9 : memref<8xi32, #tpu.memory_space<vmem>>)
      tpu.yield
    }) : () -> ()
    %dma_start3A = arith.constant 0 : i32
    %dma_start3A_10 = arith.constant 0 : i32
    %dma_start3A_11 = tpu.memref_slice %arg2[%dma_start3A, %dma_start3A_10] : memref<10000x256xf32, #tpu.memory_space<hbm>> -> memref<10000x256xf32, #tpu.memory_space<hbm>>
    tpu.enqueue_indirect_dma source(%dma_start3A_11 : memref<10000x256xf32, #tpu.memory_space<hbm>>) target(%arg10 : memref<8x256xf32, #tpu.memory_space<vmem>>) offsets(%arg9 : memref<8xi32, #tpu.memory_space<vmem>>) semaphore(%arg11 : memref<!tpu.dma_semaphore, #tpu.memory_space<semaphore_mem>>)
    %dma_wait3A = arith.constant 0 : i32
    %dma_wait3A_12 = arith.constant 0 : i32
    %dma_wait3A_13 = tpu.memref_slice %arg2[%dma_wait3A, %dma_wait3A_12] : memref<10000x256xf32, #tpu.memory_space<hbm>> -> memref<10000x256xf32, #tpu.memory_space<hbm>>
    tpu.wait_indirect_dma semaphore(%arg11 : memref<!tpu.dma_semaphore, #tpu.memory_space<semaphore_mem>>) src(%dma_wait3A_13 : memref<10000x256xf32, #tpu.memory_space<hbm>>) dst(%arg10 : memref<8x256xf32, #tpu.memory_space<vmem>>)
    "tpu.region"() ({
      %run_scoped3A = tpu.sem_alloc : memref<!tpu.dma_semaphore, #tpu.memory_space<semaphore_mem>>
      %dma_start3A_20 = arith.constant 0 : i32
      %dma_start3A_21 = tpu.memref_slice %arg5[%add3A_9, %dma_start3A_20] : memref<160000x256xf32, #tpu.memory_space<hbm>> -> memref<8x256xf32, #tpu.memory_space<hbm>>
      %dma_start3A_22 = arith.constant 0 : i32
      %dma_start3A_23 = tpu.memref_slice %arg5[%add3A_9, %dma_start3A_22] : memref<160000x256xf32, #tpu.memory_space<hbm>> -> memref<8x256xf32, #tpu.memory_space<hbm>>
      tpu.enqueue_dma source(%arg10 : memref<8x256xf32, #tpu.memory_space<vmem>>) target(%dma_start3A_23 : memref<8x256xf32, #tpu.memory_space<hbm>>) target_semaphore(%run_scoped3A : memref<!tpu.dma_semaphore, #tpu.memory_space<semaphore_mem>>)
      %dma_wait3A_24 = arith.constant 0 : i32
      %dma_wait3A_25 = tpu.memref_slice %arg5[%add3A_9, %dma_wait3A_24] : memref<160000x256xf32, #tpu.memory_space<hbm>> -> memref<8x256xf32, #tpu.memory_space<hbm>>
      %dma_wait3A_26 = arith.constant 0 : i32
      %dma_wait3A_27 = tpu.memref_slice %arg5[%add3A_9, %dma_wait3A_26] : memref<160000x256xf32, #tpu.memory_space<hbm>> -> memref<8x256xf32, #tpu.memory_space<hbm>>
      tpu.wait_dma2 semaphore(%run_scoped3A : memref<!tpu.dma_semaphore, #tpu.memory_space<semaphore_mem>>) src(%arg10 : memref<8x256xf32, #tpu.memory_space<vmem>>) dst(%dma_wait3A_27 : memref<8x256xf32, #tpu.memory_space<hbm>>)
      tpu.yield
    }) : () -> ()
    "tpu.region"() ({
      %run_scoped3A = tpu.sem_alloc : memref<!tpu.dma_semaphore, #tpu.memory_space<semaphore_mem>>
      %dma_start3A_20 = tpu.memref_slice %arg4[%add3A_9] : memref<160000xi32, #tpu.memory_space<hbm>> -> memref<8xi32, #tpu.memory_space<hbm>>
      %dma_start3A_21 = tpu.memref_slice %arg4[%add3A_9] : memref<160000xi32, #tpu.memory_space<hbm>> -> memref<8xi32, #tpu.memory_space<hbm>>
      tpu.enqueue_dma source(%dma_start3A_21 : memref<8xi32, #tpu.memory_space<hbm>>) target(%arg9 : memref<8xi32, #tpu.memory_space<vmem>>) target_semaphore(%run_scoped3A : memref<!tpu.dma_semaphore, #tpu.memory_space<semaphore_mem>>)
      %dma_wait3A_22 = tpu.memref_slice %arg4[%add3A_9] : memref<160000xi32, #tpu.memory_space<hbm>> -> memref<8xi32, #tpu.memory_space<hbm>>
      %dma_wait3A_23 = tpu.memref_slice %arg4[%add3A_9] : memref<160000xi32, #tpu.memory_space<hbm>> -> memref<8xi32, #tpu.memory_space<hbm>>
      tpu.wait_dma2 semaphore(%run_scoped3A : memref<!tpu.dma_semaphore, #tpu.memory_space<semaphore_mem>>) src(%dma_wait3A_23 : memref<8xi32, #tpu.memory_space<hbm>>) dst(%arg9 : memref<8xi32, #tpu.memory_space<vmem>>)
      tpu.yield
    }) : () -> ()
    %dma_start3A_14 = arith.constant 0 : i32
    %dma_start3A_15 = arith.constant 0 : i32
    %dma_start3A_16 = tpu.memref_slice %arg2[%dma_start3A_14, %dma_start3A_15] : memref<10000x256xf32, #tpu.memory_space<hbm>> -> memref<10000x256xf32, #tpu.memory_space<hbm>>
    tpu.enqueue_indirect_dma source(%dma_start3A_16 : memref<10000x256xf32, #tpu.memory_space<hbm>>) target(%arg10 : memref<8x256xf32, #tpu.memory_space<vmem>>) offsets(%arg9 : memref<8xi32, #tpu.memory_space<vmem>>) semaphore(%arg11 : memref<!tpu.dma_semaphore, #tpu.memory_space<semaphore_mem>>)
    %dma_wait3A_17 = arith.constant 0 : i32
    %dma_wait3A_18 = arith.constant 0 : i32
    %dma_wait3A_19 = tpu.memref_slice %arg2[%dma_wait3A_17, %dma_wait3A_18] : memref<10000x256xf32, #tpu.memory_space<hbm>> -> memref<10000x256xf32, #tpu.memory_space<hbm>>
    tpu.wait_indirect_dma semaphore(%arg11 : memref<!tpu.dma_semaphore, #tpu.memory_space<semaphore_mem>>) src(%dma_wait3A_19 : memref<10000x256xf32, #tpu.memory_space<hbm>>) dst(%arg10 : memref<8x256xf32, #tpu.memory_space<vmem>>)
    "tpu.region"() ({
      %run_scoped3A = tpu.sem_alloc : memref<!tpu.dma_semaphore, #tpu.memory_space<semaphore_mem>>
      %dma_start3A_20 = arith.constant 0 : i32
      %dma_start3A_21 = tpu.memref_slice %arg6[%add3A_9, %dma_start3A_20] : memref<160000x256xf32, #tpu.memory_space<hbm>> -> memref<8x256xf32, #tpu.memory_space<hbm>>
      %dma_start3A_22 = arith.constant 0 : i32
      %dma_start3A_23 = tpu.memref_slice %arg6[%add3A_9, %dma_start3A_22] : memref<160000x256xf32, #tpu.memory_space<hbm>> -> memref<8x256xf32, #tpu.memory_space<hbm>>
      tpu.enqueue_dma source(%arg10 : memref<8x256xf32, #tpu.memory_space<vmem>>) target(%dma_start3A_23 : memref<8x256xf32, #tpu.memory_space<hbm>>) target_semaphore(%run_scoped3A : memref<!tpu.dma_semaphore, #tpu.memory_space<semaphore_mem>>)
      %dma_wait3A_24 = arith.constant 0 : i32
      %dma_wait3A_25 = tpu.memref_slice %arg6[%add3A_9, %dma_wait3A_24] : memref<160000x256xf32, #tpu.memory_space<hbm>> -> memref<8x256xf32, #tpu.memory_space<hbm>>
      %dma_wait3A_26 = arith.constant 0 : i32
      %dma_wait3A_27 = tpu.memref_slice %arg6[%add3A_9, %dma_wait3A_26] : memref<160000x256xf32, #tpu.memory_space<hbm>> -> memref<8x256xf32, #tpu.memory_space<hbm>>
      tpu.wait_dma2 semaphore(%run_scoped3A : memref<!tpu.dma_semaphore, #tpu.memory_space<semaphore_mem>>) src(%arg10 : memref<8x256xf32, #tpu.memory_space<vmem>>) dst(%dma_wait3A_27 : memref<8x256xf32, #tpu.memory_space<hbm>>)
      tpu.yield
    }) : () -> ()
    return
  }
}

</mosaic_0001>

<sc_bundles>
// kernel: _sc_gather.3.cloned.1.call-start
scs
__scs_entry_jumppad:
0x0: {  	(pc) =	sbr.rel $0x88, $3  }
0x1: {  	(tag) =	ssettag $0x0;
	lr =	simm.s32 $0x1  }
0x2: {  	[smem:$0x3F9E] =	sst lr;
	_ =	strace $0xD0000000  }
0x3: {  	_ = 	snop  }
0x4: {  	_ = 	snop  }
0x5: {  	_ = 	snop  }
0x6: {  	_ = 	snop  }
0x7: {  	_ = 	snop  }
__scs_overlays_trampoline_lowered:
0x8: {  	[smem:$0x3FAD] =	sst s0  }
0x9: {  	[smem:$0x3FAE] =	sst s1  }
0xa: {  	[smem:$0x3FAF] =	sst s2  }
0xb: {  	[smem:$0x3FB0] =	sst s3  }
0xc: {  	[smem:$0x3FB1] =	sst s4  }
0xd: {  	[smem:$0x3FB2] =	sst s5  }
0xe: {  	[smem:$0x3FB3] =	sst s6  }
0xf: {  	[smem:$0x3FB4] =	sst s7  }
0x10: {  	[smem:$0x3FB5] =	sst s8  }
0x11: {  	[smem:$0x3FB6] =	sst s9;
	s0 =	simm.s32 @!p0 $0x0  }
0x12: {  	s1 =	sld [smem:$0x3F9C];
	s0 =	simm.s32 @p0 $0x1  }
0x13: {  	[smem:$0x3FB7] =	sst s0;
	s0 =	simm.s32 @!p1 $0x0  }
0x14: {  	s2 =	sld [smem:$0x3F9B];
	s0 =	simm.s32 @p1 $0x1  }
0x15: {  	[smem:$0x3FB8] =	sst s0;
	s0 =	simm.s32 @!p2 $0x0  }
0x16: {  	s3 =	sld [smem:$0x3FDB];
	s0 =	simm.s32 @p2 $0x1  }
0x17: {  	s4 =	simm.s32 $0x1BF5;
	[smem:$0x3FBA] =	sst s0  }
0x18: {  	s0 =	sld [smem:$0x3F9D];
	_ =	swait.ge [sflag:s4], $0x0  }
0x19: {  	s7 =	sld [smem:$0x3F9E]  }
0x1a: {  	s8 =	sadd.s32 $0xFFFFE003, lr  }
0x1b: {  	s9 =	sadd.s32 $0xFFFFFEF7, lr;
	s5 =	simm.s32 $0xFFFFFFFF;
	p2 =	slt.u32 s8, $0xFFFFF086  }
0x1c: {  	p1 =	slt.u32 s9, $0xF7A;
	s5 =	simm.s32 @!p2 $0x0  }
0x1d: {  	s5 =	simm.s32 @p1 $0x1;
	p0 =	seq.s32 s7, s2  }
0x1e: {  	s7 =	smul.u32 @!p0 $0xF7A, s2;
	p2 =	seq.s32 @!p0 s5, $0x0  }
0x1f: {  	s9 =	smul.u32 $0xF7A, s1;
	s8 =	simm.s32 @!p0 $0x1BF5;
	p2 =	por !p2, p0  }
0x20: {  	[sflag:s8] =	ssyncset.s32 @!p0 $0xFFFFF086;
	s6 =	sadd.s32 @!p0 s3, s7;
	s7 =	simm.s32 @!p0 $0x108  }
0x21: {  	s3 =	sadd.s32 s3, s9;
	s6 =	sadd.s32 @!p0 $0x88, s6;
	s7 =	simm.s32 @p2 $0x1082  }
0x22: {  	[simem:s7], [sflag:s8] =	dma.local @!p0 [hbm:s6], $0xF7A  }
0x23: {  	s9 =	sor.u32 $0xD0000000, s2;
	s6 =	simm.s32 $0x108;
	_ =	swait.ge @!p0 [sflag:s8], $0x0  }
0x24: {  	s3 =	sadd.s32 $0x88, s3;
	s6 =	simm.s32 @!p1 $0x1082;
	[sflag:s4] =	ssyncset.s32 $0xFFFFF086  }
0x25: {  	[simem:s6], [sflag:s4] =	dma.local [hbm:s3], $0xF7A  }
0x26: {  	[smem:$0x3F9E] =	sst s1;
	(tag) =	ssettag s2;
	_ =	strace s9  }
0x27: {  	s1 =	sld [smem:$0x3FAE]  }
0x28: {  	s2 =	sld [smem:$0x3FAF]  }
0x29: {  	s4 =	sld [smem:$0x3FB1]  }
0x2a: {  	p0 =	seq.s32 s5, $0x0;
	s5 =	sld [smem:$0x3FB2]  }
0x2b: {  	s6 =	sld [smem:$0x3FB3]  }
0x2c: {  	s7 =	sld [smem:$0x3FB4]  }
0x2d: {  	s3 =	simm.s32 $0x108;
	s8 =	sld [smem:$0x3FB5]  }
0x2e: {  	s3 =	simm.s32 @!p0 $0x1082;
	s9 =	sld [smem:$0x3FB6]  }
0x2f: {  	lr =	sadd.s32 s0, s3;
	s0 =	sld [smem:$0x3FAD]  }
0x30: {  	s3 =	sld [smem:$0x3FB0]  }
0x31: {  	[smem:$0x3FB9] =	sst s10  }
0x32: {  	s10 =	sld [smem:$0x3FB7];
	_ =	sdelay $0x3  }
0x33: {  	p0 =	seq.s32 s10, $0x1;
	s10 =	sld [smem:$0x3FB9];
	_ =	sdelay $0x3  }
0x34: {  	[smem:$0x3FB9] =	sst s10  }
0x35: {  	s10 =	sld [smem:$0x3FB8];
	_ =	sdelay $0x3  }
0x36: {  	p1 =	seq.s32 s10, $0x1;
	s10 =	sld [smem:$0x3FB9];
	_ =	sdelay $0x3  }
0x37: {  	[smem:$0x3FB9] =	sst s10  }
0x38: {  	s10 =	sld [smem:$0x3FBA]  }
0x39: {  	_ = 	snop;
	(pc) =	sbr.ind lr, $3  }
0x3a: {  	_ = 	snop  }
0x3b: {  	_ = 	snop  }
0x3c: {  	p2 =	seq.s32 s10, $0x1;
	s10 =	sld [smem:$0x3FB9]  }
0x3d: {  	_ =	shalt  }
0x3e: {  	_ =	shalt  }
0x3f: {  	_ =	shalt  }
0x40: {  	_ =	shalt  }
0x41: {  	_ =	shalt  }
0x42: {  	_ =	shalt  }
0x43: {  	_ =	shalt  }
0x44: {  	_ =	shalt  }
0x45: {  	_ =	shalt  }
0x46: {  	_ =	shalt  }
0x47: {  	_ =	shalt  }
0x48: {  	_ =	shalt  }
0x49: {  	_ =	shalt  }
0x4a: {  	_ =	shalt  }
0x4b: {  	_ =	shalt  }
0x4c: {  	_ =	shalt  }
0x4d: {  	_ =	shalt  }
0x4e: {  	_ =	shalt  }
0x4f: {  	_ =	shalt  }
0x50: {  	_ =	shalt  }
0x51: {  	_ =	shalt  }
0x52: {  	_ =	shalt  }
0x53: {  	_ =	shalt  }
0x54: {  	_ =	shalt  }
0x55: {  	_ =	shalt  }
0x56: {  	_ =	shalt  }
0x57: {  	_ =	shalt  }
0x58: {  	_ =	shalt  }
0x59: {  	_ =	shalt  }
0x5a: {  	_ =	shalt  }
0x5b: {  	_ =	shalt  }
0x5c: {  	_ =	shalt  }
0x5d: {  	_ =	shalt  }
0x5e: {  	_ =	shalt  }
0x5f: {  	_ =	shalt  }
0x60: {  	_ =	shalt  }
0x61: {  	_ =	shalt  }
0x62: {  	_ =	shalt  }
0x63: {  	_ =	shalt  }
0x64: {  	_ =	shalt  }
0x65: {  	_ =	shalt  }
0x66: {  	_ =	shalt  }
0x67: {  	_ =	shalt  }
0x68: {  	_ =	shalt  }
0x69: {  	_ =	shalt  }
0x6a: {  	_ =	shalt  }
0x6b: {  	_ =	shalt  }
0x6c: {  	_ =	shalt  }
0x6d: {  	_ =	shalt  }
0x6e: {  	_ =	shalt  }
0x6f: {  	_ =	shalt  }
0x70: {  	_ =	shalt  }
0x71: {  	_ =	shalt  }
0x72: {  	_ =	shalt  }
0x73: {  	_ =	shalt  }
0x74: {  	_ =	shalt  }
0x75: {  	_ =	shalt  }
0x76: {  	_ =	shalt  }
0x77: {  	_ =	shalt  }
0x78: {  	_ =	shalt  }
0x79: {  	_ =	shalt  }
0x7a: {  	_ =	shalt  }
0x7b: {  	_ =	shalt  }
0x7c: {  	_ =	shalt  }
0x7d: {  	_ =	shalt  }
0x7e: {  	_ =	shalt  }
0x7f: {  	_ =	shalt  }
0x80: {  	_ =	shalt  }
0x81: {  	_ =	shalt  }
0x82: {  	_ =	shalt  }
0x83: {  	_ =	shalt  }
0x84: {  	_ =	shalt  }
0x85: {  	_ =	shalt  }
0x86: {  	_ =	shalt  }
0x87: {  	_ =	shalt  }
.Lfunc_end0:
.L_simem_size_0:
called_computation_lowered:
.L_overlay_start_0:
0x88: {  	s2 =	sld [smem:$0x3FD9]  }
0x89: {  	s3 =	sld [smem:$0x3FFE];
	_ =	sdelay $0x1  }
0x8a: {  	s1 =	srdreg.scid  }
0x8b: {  	s0 =	sand.u32 $0x1, s1  }
0x8c: {  	s15 =	sshll.u32 s0, $0xA;
	s2 =	sadd.s32 s3, s2  }
0x8d: {  	s2 =	sadd.s32 s2, s15  }
0x8e: {  	[smem:$0x3FC5] =	sst s2  }
0x8f: {  	_ = 	snop  }
0x90: {  	s2 =	sld [smem:$0x3FD0]  }
0x91: {  	s16 =	sld [smem:$0x3FC9]  }
0x92: {  	s4 =	sld [smem:$0x3FC8]  }
0x93: {  	s6 =	simm.s32 $0xA;
	s7 =	simm.s32 $0x10;
	s5 =	sld [smem:$0x3FC7]  }
0x94: {  	[smem:s7], [sflag:s6] =	dma.local [hbm:s2], $0x1  }
0x95: {  	_ =	swait.eq [sflag:s6], $0x1  }
0x96: {  	[sflag:s6] =	ssyncset.done $0x0  }
0x97: {  	s17 =	sld [smem:$0x10];
	[sflag:s6] =	ssyncadd.s32 $0xFFFFFFFF  }
0x98: {  	s18 =	sld [smem:$0x11];
	(tm) =	ssettm $0x1  }
0x99: {  	s19 =	sld [smem:$0x3FFB];
	_ =	sdelay $0x3  }
0x9a: {  	_ =	strace s19  }
0x9b: {  	s7 =	sld [smem:$0x3FFC];
	_ =	sdelay $0x3  }
0x9c: {  	_ =	strace s7  }
0x9d: {  	s7 =	sld [smem:$0x3FFD];
	_ =	sdelay $0x3  }
0x9e: {  	_ =	strace s7  }
0x9f: {  	_ =	strace $0x8FFFFFFF  }
0xa0: {  	s20 =	sld [smem:$0x3FDB];
	_ =	sdelay $0x1  }
0xa1: {  	s8 =	simm.s32 $_scs_section_size  }
0xa2: {  	s9 =	simm.s32 $_size__tile_overlayer_lowered;
	s10 =	simm.s32 $_tile_overlayer_lowered  }
0xa3: {  	s23 =	simm.s32 $0x1BFF;
	s22 =	sshll.u32 s10, $0x1;
	s7 =	sadd.s32 s8, s20  }
0xa4: {  	s11 =	simm.s32 $0x0;
	s21 =	sshll.u32 s9, $0x1;
	s9 =	sadd.s32 s22, s7  }
0xa5: {  	[timem:s11], [sflag:s23] =	dma.local [hbm:s9], s21  }
0xa6: {  	_ =	swait.ge [sflag:s23], s21  }
0xa7: {  	s8 =	ssub.s32 $0x0, s21;
	[sflag:s23] =	ssyncset.done $0x0  }
0xa8: {  	[sflag:s23] =	ssyncadd.s32 s8;
	_ =	sdelay $0x1  }
0xa9: {  	s24 =	simm.s32 $0x1B8B  }
0xaa: {  	_ =	swait.ge [sflag:s24], $0x1  }
0xab: {  	[sflag:s24] =	ssyncset.done $0x0  }
0xac: {  	s25 =	simm.s32 $0x1B8E;
	[sflag:s24] =	ssyncadd.s32 $0xFFFFFFFF  }
0xad: {  	s26 =	simm.s32 $execute0_lowered;
	[smem:$0x3FD2] =	sst s25  }
0xae: {  	s8 =	sshll.u32 s26, $0x1;
	_ =	strace $0x80000046;
	[dreg:$0x1] =	wrdreg $0xFFFFFFFF  }
0xaf: {  	s28 =	simm.s32 $_size_execute0_lowered;
	s7 =	sadd.s32 s7, s8;
	[dreg:$0x0] =	wrdreg $0x0  }
0xb0: {  	s8 =	sshll.u32 s28, $0x1;
	[dreg:$0x2] =	wrdreg s7  }
0xb1: {  	[dreg:$0x3] =	wrdreg s8  }
0xb2: {  	[dreg:$0x4] =	wrdreg $0xC0  }
0xb3: {  	_ =	task [dreg:s11], $0x5FFFF  }
0xb4: {  	[dreg:$0x1] =	wrdreg $0xFFFFFFFF  }
0xb5: {  	[dreg:$0x0] =	wrdreg $0x60  }
0xb6: {  	[dreg:$0x2] =	wrdreg s16  }
0xb7: {  	[dreg:$0x3] =	wrdreg s4  }
0xb8: {  	[dreg:$0x4] =	wrdreg s5  }
0xb9: {  	[dreg:$0x5] =	wrdreg s17  }
0xba: {  	[dreg:$0x6] =	wrdreg s18  }
0xbb: {  	[dreg:$0x7] =	wrdreg $0x9  }
0xbc: {  	_ =	task.clear_ibuf [dreg:s11], $0x8FFFF;
	_ =	strace $0x90000046  }
0xbd: {  	s29 =	simm.s32 $0x9;
	_ =	strace $0x80000048  }
0xbe: {  	_ =	swait.ge [sflag:s29], $0x1  }
0xbf: {  	[sflag:s29] =	ssyncadd.s32 $0xFFFFFFFF  }
0xc0: {  	_ =	strace $0x90000048  }
0xc1: {  	_ =	sfence  }
0xc2: {  	s30 =	sld [smem:$0x0];
	_ =	sdelay $0x2  }
0xc3: {  	s31 =	sshll.u32 s1, $0xD;
	s1 =	sshrl.u32 s1, $0x2  }
0xc4: {  	s3 =	sand.u32 $0x4000, s31;
	s1 =	sadd.s32 s1, s30  }
0xc5: {  	s0 =	sor.u32 s3, s0;
	s1 =	sshll.u32 s1, $0x11  }
0xc6: {  	s0 =	sor.u32 s1, s0  }
0xc7: {  	s0 =	sadd.s32 $0x8F2B, s0  }
0xc8: {  	[sflag:s0] =	ssyncadd.remote.s32 $0x1  }
0xc9: {  	_ =	sfence.sel $0xFFFF  }
0xca: {  	[dreg:$0x0] =	wrdreg $0xFFFFFFFF;
	(pc) =	sbr.abs _section_cstart, $3  }
0xcb: {  	[dreg:$0x1] =	wrdreg $0xFFFFFFFF  }
0xcc: {  	_ =	task.clear_ibuf [dreg:s11], $0x2FFFF;
	_ =	strace $0x9FFFFFFF  }
0xcd: {  	(tm) =	ssettm $0x7FFFFFFF  }
tec
execute0_lowered:
.L_overlay_start_1:
0x0: {  	(tag) =	ssettag $0x1  }
0x1: {  	s0 =	rddreg [dreg:$0x0]  }
0x2: {  	s1 =	rddreg [dreg:$0x1]  }
0x3: {  	s2 =	rddreg [dreg:$0x2]  }
0x4: {  	s4 =	rddreg [dreg:$0x3]  }
0x5: {  	s3 =	srdreg.scid;
	s11 =	stileid.u32  }
0x6: {  	s5 =	rddreg [dreg:$0x4];
	s13 =	simm.s32 $0x2;
	s14 =	simm.s32 $0x80  }
0x7: {  	s15 =	simm.s32 $0x880;
	s16 =	simm.s32 $0x1080;
	s17 =	simm.s32 $0x1880  }
0x8: {  	s18 =	simm.s32 $0x2080;
	s28 =	simm.s32 $0x6880;
	s29 =	simm.s32 $0x7080  }
0x9: {  	s30 =	simm.s32 $0x7880;
	s31 =	simm.s32 $0x1;
	s19 =	smul.u32 $0x4E200, s11  }
0xa: {  	s6 =	sand.u32 $0x1, s3;
	s7 =	sshll.u32 s11, $0x1;
	s11 =	smul.u32 $0x2710, s11  }
0xb: {  	s3 =	simm.s32 $0x0;
	s7 =	sor.u32 s6, s7;
	s21 =	smul.u32 $0x1388, s6  }
0xc: {  	[smem:$0x7FF] =	sst s3;
	s8 =	ssub.s32 $0x2, s6;
	s22 =	smul.u32 $0x27100, s6  }
0xd: {  	s7 =	smul.u32 $0x1388, s7;
	_ =	strace $0x80000047;
	s9 =	sshrl.u32 s8, $0x1  }
0xe: {  	s25 =	sadd.s32 s19, s5;
	s8 =	ssub.s32 s8, s9;
	s24 =	sadd.s32 s21, s11  }
0xf: {  	s21 =	simm.s32 $0x3880;
	s7 =	sadd.s32 $0x1380, s7;
	s23 =	smax.u32 s8, $0x1  }
0x10: {  	s26 =	sshrl.u32 s24, $0x3;
	s24 =	simm.s32 $0x5080;
	s10 =	sshrl.u32 s7, $0x3  }
0x11: {  	s7 =	sshll.u32 s7, $0x5;
	[dreg:$0xa] =	wrdreg s23;
	s11 =	sadd.s32 s26, s2  }
0x12: {  	s23 =	simm.s32 $0x4880;
	s12 =	sadd.s32 s1, s10;
	s20 =	sadd.s32 s4, s7  }
0x13: {  	s10 =	sadd.s32 s2, s10;
	s7 =	sadd.s32 s5, s7;
	[dreg:$0x6] =	wrdreg s12  }
0x14: {  	s4 =	sadd.s32 s19, s4;
	s5 =	sadd.s32 s22, s25;
	[dreg:$0x7] =	wrdreg s20  }
0x15: {  	s19 =	simm.s32 $0x2880;
	s25 =	simm.s32 $0x5880;
	[dreg:$0x8] =	wrdreg s10  }
0x16: {  	v2 =	vlaneseq.u32;
	s2 =	simm.s32 $0x8080;
	[dreg:$0x9] =	wrdreg s7;
	s6 =	sadd.s32 s22, s4  }
0x17: {  	vm0 =	vmmov $0xffff;
	v1 =	vshrl.u32 v2, $0x3;
	s12 =	sadd.s32 s26, s1;
	s20 =	simm.s32 $0x3080;
	s22 =	simm.s32 $0x4080  }
0x18: {  	v0 =	vand.u32 $0x7, v2;
	v2 =	vor.u32 $0x8, v2;
	v1 =	vmul.u32 $0x8, v1;
	s26 =	simm.s32 $0x6080;
	s1 =	simm.s32 $0x8100;
	s4 =	simm.s32 $0x0  }
.LBB2_1:
0x19: {  	s10 =	smov.u32 s5;
	s9 =	smov.u32 s6;
	s7 =	simm.s32 $0x0  }
.LBB2_2:
0x1a: {  	s8 =	sadd.s32 s7, s12  }
0x1b: {  	[tilespmem:s3], [sflag:$0x2] =	stream.linear.gather [hbm4b:s8+s3], $0x80, $0x38;
	[tilespmem:$0x8900] =	vst v63  }
0x1c: {  	_ =	swait.ge [sflag:s13], $0x80  }
0x1d: {  	[sflag:s13] =	ssyncset.done $0x0  }
0x1e: {  	[sflag:s13] =	ssyncadd.s32 $0xFFFFFF80  }
0x1f: {  	v3 =	vld [tilespmem:$0x0];
	_ =	sdelay $0x4  }
0x20: {  	v4 =	vshll.u32 v3, $0x1  }
0x21: {  	v3 =	vand.u32 $0x7, v3;
	v4 =	vand.u32 $0xFFFFFFF0, v4  }
0x22: {  	v3 =	vor.u32 v3, v4  }
0x23: {  	v4 =	vperm.xlane v3, v0;
	_ =	sdelay $0x1  }
0x24: {  	v3 =	vperm.xlane v3, v2;
	v4 =	vadd.s32 v1, v4;
	_ =	sdelay $0x1  }
0x25: {  	v3 =	vadd.s32 v1, v3;
	_ =	sdelay $0x2  }
0x26: {  	[tilespmem:s14], [sflag:$0x1] =	stream.indirect_vreg.gather [hbm4b:s0+s3], $0x80, v4, vm0, $0xb8;
	[tilespmem:$0x8900] =	vst v63  }
0x27: {  	_ = 	snop  }
0x28: {  	[tilespmem:s15], [sflag:$0x1] =	stream.indirect_vreg.gather [hbm4b:s0+s3], $0x80, v3, vm0, $0xb8;
	[tilespmem:$0x8900] =	vst v63  }
0x29: {  	v3 =	vld [tilespmem:$0x10];
	_ =	sdelay $0x4  }
0x2a: {  	v49 =	vshll.u32 v3, $0x1  }
0x2b: {  	v3 =	vand.u32 $0x7, v3;
	v4 =	vand.u32 $0xFFFFFFF0, v49  }
0x2c: {  	v3 =	vor.u32 v3, v4  }
0x2d: {  	v4 =	vperm.xlane v3, v0;
	_ =	sdelay $0x1  }
0x2e: {  	v3 =	vperm.xlane v3, v2;
	v4 =	vadd.s32 v1, v4;
	_ =	sdelay $0x1  }
0x2f: {  	v3 =	vadd.s32 v1, v3;
	_ =	sdelay $0x2  }
0x30: {  	[tilespmem:s16], [sflag:$0x1] =	stream.indirect_vreg.gather [hbm4b:s0+s3], $0x80, v4, vm0, $0xb8;
	[tilespmem:$0x8900] =	vst v63  }
0x31: {  	_ = 	snop  }
0x32: {  	[tilespmem:s17], [sflag:$0x1] =	stream.indirect_vreg.gather [hbm4b:s0+s3], $0x80, v3, vm0, $0xb8;
	[tilespmem:$0x8900] =	vst v63  }
0x33: {  	v3 =	vld [tilespmem:$0x20];
	_ =	sdelay $0x4  }
0x34: {  	v50 =	vshll.u32 v3, $0x1  }
0x35: {  	v3 =	vand.u32 $0x7, v3;
	v4 =	vand.u32 $0xFFFFFFF0, v50  }
0x36: {  	v3 =	vor.u32 v3, v4  }
0x37: {  	v4 =	vperm.xlane v3, v0;
	_ =	sdelay $0x1  }
0x38: {  	v3 =	vperm.xlane v3, v2;
	v4 =	vadd.s32 v1, v4;
	_ =	sdelay $0x1  }
0x39: {  	v3 =	vadd.s32 v1, v3;
	_ =	sdelay $0x2  }
0x3a: {  	[tilespmem:s18], [sflag:$0x1] =	stream.indirect_vreg.gather [hbm4b:s0+s3], $0x80, v4, vm0, $0xb8;
	[tilespmem:$0x8900] =	vst v63  }
0x3b: {  	_ = 	snop  }
0x3c: {  	[tilespmem:s19], [sflag:$0x1] =	stream.indirect_vreg.gather [hbm4b:s0+s3], $0x80, v3, vm0, $0xb8;
	[tilespmem:$0x8900] =	vst v63  }
0x3d: {  	v3 =	vld [tilespmem:$0x30];
	_ =	sdelay $0x4  }
0x3e: {  	v51 =	vshll.u32 v3, $0x1  }
0x3f: {  	v3 =	vand.u32 $0x7, v3;
	v4 =	vand.u32 $0xFFFFFFF0, v51  }
0x40: {  	v3 =	vor.u32 v3, v4  }
0x41: {  	v4 =	vperm.xlane v3, v0;
	_ =	sdelay $0x1  }
0x42: {  	v3 =	vperm.xlane v3, v2;
	v4 =	vadd.s32 v1, v4;
	_ =	sdelay $0x1  }
0x43: {  	v3 =	vadd.s32 v1, v3;
	_ =	sdelay $0x2  }
0x44: {  	[tilespmem:s20], [sflag:$0x1] =	stream.indirect_vreg.gather [hbm4b:s0+s3], $0x80, v4, vm0, $0xb8;
	[tilespmem:$0x8900] =	vst v63  }
0x45: {  	_ = 	snop  }
0x46: {  	[tilespmem:s21], [sflag:$0x1] =	stream.indirect_vreg.gather [hbm4b:s0+s3], $0x80, v3, vm0, $0xb8;
	[tilespmem:$0x8900] =	vst v63  }
0x47: {  	v3 =	vld [tilespmem:$0x40];
	_ =	sdelay $0x4  }
0x48: {  	v52 =	vshll.u32 v3, $0x1  }
0x49: {  	v3 =	vand.u32 $0x7, v3;
	v4 =	vand.u32 $0xFFFFFFF0, v52  }
0x4a: {  	v3 =	vor.u32 v3, v4  }
0x4b: {  	v4 =	vperm.xlane v3, v0;
	_ =	sdelay $0x1  }
0x4c: {  	v3 =	vperm.xlane v3, v2;
	v4 =	vadd.s32 v1, v4;
	_ =	sdelay $0x1  }
0x4d: {  	v3 =	vadd.s32 v1, v3;
	_ =	sdelay $0x2  }
0x4e: {  	[tilespmem:s22], [sflag:$0x1] =	stream.indirect_vreg.gather [hbm4b:s0+s3], $0x80, v4, vm0, $0xb8;
	[tilespmem:$0x8900] =	vst v63  }
0x4f: {  	_ = 	snop  }
0x50: {  	[tilespmem:s23], [sflag:$0x1] =	stream.indirect_vreg.gather [hbm4b:s0+s3], $0x80, v3, vm0, $0xb8;
	[tilespmem:$0x8900] =	vst v63  }
0x51: {  	v3 =	vld [tilespmem:$0x50];
	_ =	sdelay $0x4  }
0x52: {  	v53 =	vshll.u32 v3, $0x1  }
0x53: {  	v3 =	vand.u32 $0x7, v3;
	v4 =	vand.u32 $0xFFFFFFF0, v53  }
0x54: {  	v3 =	vor.u32 v3, v4  }
0x55: {  	v4 =	vperm.xlane v3, v0;
	_ =	sdelay $0x1  }
0x56: {  	v3 =	vperm.xlane v3, v2;
	v4 =	vadd.s32 v1, v4;
	_ =	sdelay $0x1  }
0x57: {  	v3 =	vadd.s32 v1, v3;
	_ =	sdelay $0x2  }
0x58: {  	[tilespmem:s24], [sflag:$0x1] =	stream.indirect_vreg.gather [hbm4b:s0+s3], $0x80, v4, vm0, $0xb8;
	[tilespmem:$0x8900] =	vst v63  }
0x59: {  	_ = 	snop  }
0x5a: {  	[tilespmem:s25], [sflag:$0x1] =	stream.indirect_vreg.gather [hbm4b:s0+s3], $0x80, v3, vm0, $0xb8;
	[tilespmem:$0x8900] =	vst v63  }
0x5b: {  	v3 =	vld [tilespmem:$0x60];
	_ =	sdelay $0x4  }
0x5c: {  	v54 =	vshll.u32 v3, $0x1  }
0x5d: {  	v3 =	vand.u32 $0x7, v3;
	v4 =	vand.u32 $0xFFFFFFF0, v54  }
0x5e: {  	v3 =	vor.u32 v3, v4  }
0x5f: {  	v4 =	vperm.xlane v3, v0;
	_ =	sdelay $0x1  }
0x60: {  	v3 =	vperm.xlane v3, v2;
	v4 =	vadd.s32 v1, v4;
	_ =	sdelay $0x1  }
0x61: {  	v3 =	vadd.s32 v1, v3;
	_ =	sdelay $0x2  }
0x62: {  	[tilespmem:s26], [sflag:$0x1] =	stream.indirect_vreg.gather [hbm4b:s0+s3], $0x80, v4, vm0, $0xb8;
	[tilespmem:$0x8900] =	vst v63  }
0x63: {  	_ = 	snop  }
0x64: {  	[tilespmem:s28], [sflag:$0x1] =	stream.indirect_vreg.gather [hbm4b:s0+s3], $0x80, v3, vm0, $0xb8;
	[tilespmem:$0x8900] =	vst v63  }
0x65: {  	v3 =	vld [tilespmem:$0x70];
	_ =	sdelay $0x4  }
0x66: {  	v55 =	vshll.u32 v3, $0x1  }
0x67: {  	v3 =	vand.u32 $0x7, v3;
	v4 =	vand.u32 $0xFFFFFFF0, v55  }
0x68: {  	v3 =	vor.u32 v3, v4  }
0x69: {  	v4 =	vperm.xlane v3, v0;
	_ =	sdelay $0x1  }
0x6a: {  	v3 =	vperm.xlane v3, v2;
	v4 =	vadd.s32 v1, v4;
	_ =	sdelay $0x1  }
0x6b: {  	v3 =	vadd.s32 v1, v3;
	_ =	sdelay $0x2  }
0x6c: {  	[tilespmem:s29], [sflag:$0x1] =	stream.indirect_vreg.gather [hbm4b:s0+s3], $0x80, v4, vm0, $0xb8;
	[tilespmem:$0x8900] =	vst v63  }
0x6d: {  	_ = 	snop  }
0x6e: {  	[tilespmem:s30], [sflag:$0x1] =	stream.indirect_vreg.gather [hbm4b:s0+s3], $0x80, v3, vm0, $0xb8;
	[tilespmem:$0x8900] =	vst v63  }
0x6f: {  	_ =	swait.ge [sflag:s31], $0x8000  }
0x70: {  	[sflag:s31] =	ssyncset.done $0x0  }
0x71: {  	[sflag:s31] =	ssyncadd.s32 $0xFFFF8000  }
0x72: {  	[hbm4b:s9+s3] =	stream.linear.scatter [tilespmem:s14], [sflag:$0x2], $0x8000, $0x38;
	[tilespmem:$0x8900] =	vst v63  }
0x73: {  	_ =	swait.ge [sflag:s13], $0x8000  }
0x74: {  	[sflag:s13] =	ssyncset.done $0x0  }
0x75: {  	s8 =	sadd.s32 s7, s11;
	[sflag:s13] =	ssyncadd.s32 $0xFFFF8000  }
0x76: {  	[tilespmem:s3], [sflag:$0x2] =	stream.linear.gather [hbm4b:s8+s3], $0x80, $0x38;
	[tilespmem:$0x8900] =	vst v63  }
0x77: {  	_ =	swait.ge [sflag:s13], $0x80  }
0x78: {  	[sflag:s13] =	ssyncset.done $0x0  }
0x79: {  	[sflag:s13] =	ssyncadd.s32 $0xFFFFFF80  }
0x7a: {  	v3 =	vld [tilespmem:$0x0];
	_ =	sdelay $0x4  }
0x7b: {  	v56 =	vshll.u32 v3, $0x1  }
0x7c: {  	v3 =	vand.u32 $0x7, v3;
	v4 =	vand.u32 $0xFFFFFFF0, v56  }
0x7d: {  	v3 =	vor.u32 v3, v4  }
0x7e: {  	v4 =	vperm.xlane v3, v0;
	_ =	sdelay $0x1  }
0x7f: {  	v3 =	vperm.xlane v3, v2;
	v4 =	vadd.s32 v1, v4;
	_ =	sdelay $0x1  }
0x80: {  	v3 =	vadd.s32 v1, v3;
	_ =	sdelay $0x2  }
0x81: {  	[tilespmem:s14], [sflag:$0x1] =	stream.indirect_vreg.gather [hbm4b:s0+s3], $0x80, v4, vm0, $0xb8;
	[tilespmem:$0x8900] =	vst v63  }
0x82: {  	_ = 	snop  }
0x83: {  	[tilespmem:s15], [sflag:$0x1] =	stream.indirect_vreg.gather [hbm4b:s0+s3], $0x80, v3, vm0, $0xb8;
	[tilespmem:$0x8900] =	vst v63  }
0x84: {  	v3 =	vld [tilespmem:$0x10];
	_ =	sdelay $0x4  }
0x85: {  	v57 =	vshll.u32 v3, $0x1  }
0x86: {  	v3 =	vand.u32 $0x7, v3;
	v4 =	vand.u32 $0xFFFFFFF0, v57  }
0x87: {  	v3 =	vor.u32 v3, v4  }
0x88: {  	v4 =	vperm.xlane v3, v0;
	_ =	sdelay $0x1  }
0x89: {  	v3 =	vperm.xlane v3, v2;
	v4 =	vadd.s32 v1, v4;
	_ =	sdelay $0x1  }
0x8a: {  	v3 =	vadd.s32 v1, v3;
	_ =	sdelay $0x2  }
0x8b: {  	[tilespmem:s16], [sflag:$0x1] =	stream.indirect_vreg.gather [hbm4b:s0+s3], $0x80, v4, vm0, $0xb8;
	[tilespmem:$0x8900] =	vst v63  }
0x8c: {  	_ = 	snop  }
0x8d: {  	[tilespmem:s17], [sflag:$0x1] =	stream.indirect_vreg.gather [hbm4b:s0+s3], $0x80, v3, vm0, $0xb8;
	[tilespmem:$0x8900] =	vst v63  }
0x8e: {  	v3 =	vld [tilespmem:$0x20];
	_ =	sdelay $0x4  }
0x8f: {  	v58 =	vshll.u32 v3, $0x1  }
0x90: {  	v3 =	vand.u32 $0x7, v3;
	v4 =	vand.u32 $0xFFFFFFF0, v58  }
0x91: {  	v3 =	vor.u32 v3, v4  }
0x92: {  	v4 =	vperm.xlane v3, v0;
	_ =	sdelay $0x1  }
0x93: {  	v3 =	vperm.xlane v3, v2;
	v4 =	vadd.s32 v1, v4;
	_ =	sdelay $0x1  }
0x94: {  	v3 =	vadd.s32 v1, v3;
	_ =	sdelay $0x2  }
0x95: {  	[tilespmem:s18], [sflag:$0x1] =	stream.indirect_vreg.gather [hbm4b:s0+s3], $0x80, v4, vm0, $0xb8;
	[tilespmem:$0x8900] =	vst v63  }
0x96: {  	_ = 	snop  }
0x97: {  	[tilespmem:s19], [sflag:$0x1] =	stream.indirect_vreg.gather [hbm4b:s0+s3], $0x80, v3, vm0, $0xb8;
	[tilespmem:$0x8900] =	vst v63  }
0x98: {  	v3 =	vld [tilespmem:$0x30];
	_ =	sdelay $0x4  }
0x99: {  	v59 =	vshll.u32 v3, $0x1  }
0x9a: {  	v3 =	vand.u32 $0x7, v3;
	v4 =	vand.u32 $0xFFFFFFF0, v59  }
0x9b: {  	v3 =	vor.u32 v3, v4  }
0x9c: {  	v4 =	vperm.xlane v3, v0;
	_ =	sdelay $0x1  }
0x9d: {  	v3 =	vperm.xlane v3, v2;
	v4 =	vadd.s32 v1, v4;
	_ =	sdelay $0x1  }
0x9e: {  	v3 =	vadd.s32 v1, v3;
	_ =	sdelay $0x2  }
0x9f: {  	[tilespmem:s20], [sflag:$0x1] =	stream.indirect_vreg.gather [hbm4b:s0+s3], $0x80, v4, vm0, $0xb8;
	[tilespmem:$0x8900] =	vst v63  }
0xa0: {  	_ = 	snop  }
0xa1: {  	[tilespmem:s21], [sflag:$0x1] =	stream.indirect_vreg.gather [hbm4b:s0+s3], $0x80, v3, vm0, $0xb8;
	[tilespmem:$0x8900] =	vst v63  }
0xa2: {  	v3 =	vld [tilespmem:$0x40];
	_ =	sdelay $0x4  }
0xa3: {  	v60 =	vshll.u32 v3, $0x1  }
0xa4: {  	v3 =	vand.u32 $0x7, v3;
	v4 =	vand.u32 $0xFFFFFFF0, v60  }
0xa5: {  	v3 =	vor.u32 v3, v4  }
0xa6: {  	v4 =	vperm.xlane v3, v0;
	_ =	sdelay $0x1  }
0xa7: {  	v3 =	vperm.xlane v3, v2;
	v4 =	vadd.s32 v1, v4;
	_ =	sdelay $0x1  }
0xa8: {  	v3 =	vadd.s32 v1, v3;
	_ =	sdelay $0x2  }
0xa9: {  	[tilespmem:s22], [sflag:$0x1] =	stream.indirect_vreg.gather [hbm4b:s0+s3], $0x80, v4, vm0, $0xb8;
	[tilespmem:$0x8900] =	vst v63  }
0xaa: {  	_ = 	snop  }
0xab: {  	[tilespmem:s23], [sflag:$0x1] =	stream.indirect_vreg.gather [hbm4b:s0+s3], $0x80, v3, vm0, $0xb8;
	[tilespmem:$0x8900] =	vst v63  }
0xac: {  	v3 =	vld [tilespmem:$0x50];
	_ =	sdelay $0x4  }
0xad: {  	v61 =	vshll.u32 v3, $0x1  }
0xae: {  	v3 =	vand.u32 $0x7, v3;
	v4 =	vand.u32 $0xFFFFFFF0, v61  }
0xaf: {  	v3 =	vor.u32 v3, v4  }
0xb0: {  	v4 =	vperm.xlane v3, v0;
	_ =	sdelay $0x1  }
0xb1: {  	v3 =	vperm.xlane v3, v2;
	v4 =	vadd.s32 v1, v4;
	_ =	sdelay $0x1  }
0xb2: {  	v3 =	vadd.s32 v1, v3;
	_ =	sdelay $0x2  }
0xb3: {  	[tilespmem:s24], [sflag:$0x1] =	stream.indirect_vreg.gather [hbm4b:s0+s3], $0x80, v4, vm0, $0xb8;
	[tilespmem:$0x8900] =	vst v63  }
0xb4: {  	_ = 	snop  }
0xb5: {  	[tilespmem:s25], [sflag:$0x1] =	stream.indirect_vreg.gather [hbm4b:s0+s3], $0x80, v3, vm0, $0xb8;
	[tilespmem:$0x8900] =	vst v63  }
0xb6: {  	v3 =	vld [tilespmem:$0x60];
	_ =	sdelay $0x4  }
0xb7: {  	v62 =	vshll.u32 v3, $0x1  }
0xb8: {  	v3 =	vand.u32 $0x7, v3;
	v4 =	vand.u32 $0xFFFFFFF0, v62  }
0xb9: {  	v3 =	vor.u32 v3, v4  }
0xba: {  	v4 =	vperm.xlane v3, v0;
	_ =	sdelay $0x1  }
0xbb: {  	v3 =	vperm.xlane v3, v2;
	v4 =	vadd.s32 v1, v4;
	_ =	sdelay $0x1  }
0xbc: {  	v3 =	vadd.s32 v1, v3;
	_ =	sdelay $0x2  }
0xbd: {  	[tilespmem:s26], [sflag:$0x1] =	stream.indirect_vreg.gather [hbm4b:s0+s3], $0x80, v4, vm0, $0xb8;
	[tilespmem:$0x8900] =	vst v63  }
0xbe: {  	_ = 	snop  }
0xbf: {  	[tilespmem:s28], [sflag:$0x1] =	stream.indirect_vreg.gather [hbm4b:s0+s3], $0x80, v3, vm0, $0xb8;
	[tilespmem:$0x8900] =	vst v63  }
0xc0: {  	v3 =	vld [tilespmem:$0x70];
	_ =	sdelay $0x4  }
0xc1: {  	v63 =	vshll.u32 v3, $0x1  }
0xc2: {  	v3 =	vand.u32 $0x7, v3;
	v4 =	vand.u32 $0xFFFFFFF0, v63  }
0xc3: {  	v3 =	vor.u32 v3, v4  }
0xc4: {  	v4 =	vperm.xlane v3, v0;
	_ =	sdelay $0x1  }
0xc5: {  	v3 =	vperm.xlane v3, v2;
	v4 =	vadd.s32 v1, v4;
	_ =	sdelay $0x1  }
0xc6: {  	v3 =	vadd.s32 v1, v3;
	_ =	sdelay $0x2  }
0xc7: {  	[tilespmem:s29], [sflag:$0x1] =	stream.indirect_vreg.gather [hbm4b:s0+s3], $0x80, v4, vm0, $0xb8;
	[tilespmem:$0x8900] =	vst v63  }
0xc8: {  	_ = 	snop  }
0xc9: {  	[tilespmem:s30], [sflag:$0x1] =	stream.indirect_vreg.gather [hbm4b:s0+s3], $0x80, v3, vm0, $0xb8;
	[tilespmem:$0x8900] =	vst v63  }
0xca: {  	_ =	swait.ge [sflag:s31], $0x8000  }
0xcb: {  	p0 =	sne.s32 s7, $0x260;
	[sflag:s31] =	ssyncset.done $0x0  }
.Ltmp0:
0xcc: {  	[sflag:s31] =	ssyncadd.s32 $0xFFFF8000;
	(pc) =	sbr.rel @p0 .LBB2_2-.Ltmp0, $4  }
0xcd: {  	[hbm4b:s10+s3] =	stream.linear.scatter [tilespmem:s14], [sflag:$0x2], $0x8000, $0x38;
	[tilespmem:$0x8900] =	vst v63  }
0xce: {  	_ =	swait.ge [sflag:s13], $0x8000  }
0xcf: {  	s7 =	sadd.s32 $0x10, s7;
	[sflag:s13] =	ssyncset.done $0x0  }
0xd0: {  	s9 =	sadd.s32 $0x1000, s9;
	s10 =	sadd.s32 $0x1000, s10;
	[sflag:s13] =	ssyncadd.s32 $0xFFFF8000  }
0xd1: {  	s7 =	rddreg [dreg:$0x6]  }
0xd2: {  	[tilespmem:s2], [sflag:$0x2] =	stream.linear.gather [hbm4b:s7+s3], $0x8, $0x38;
	[tilespmem:$0x8900] =	vst v63  }
0xd3: {  	_ =	swait.ge [sflag:s13], $0x8  }
0xd4: {  	[sflag:s13] =	ssyncset.done $0x0  }
0xd5: {  	[sflag:s13] =	ssyncadd.s32 $0xFFFFFFF8  }
0xd6: {  	v3 =	vld.msk [tilespmem:$0x8080], $0xff;
	_ =	sdelay $0x4  }
0xd7: {  	v4 =	vshll.u32 v3, $0x1  }
0xd8: {  	v3 =	vand.u32 $0x7, v3;
	v4 =	vand.u32 $0xFFFFFFF0, v4  }
0xd9: {  	v3 =	vor.u32 v3, v4  }
0xda: {  	v3 =	vperm.xlane v3, v0;
	_ =	sdelay $0x1  }
0xdb: {  	v3 =	vadd.s32 v1, v3;
	_ =	sdelay $0x4  }
0xdc: {  	[tilespmem:s1], [sflag:$0x1] =	stream.indirect_vreg.gather [hbm4b:s0+s3], $0x80, v3, vm0, $0xb8;
	[tilespmem:$0x8900] =	vst v63  }
0xdd: {  	_ =	swait.ge [sflag:s31], $0x800  }
0xde: {  	[sflag:s31] =	ssyncset.done $0x0  }
0xdf: {  	s10 =	rddreg [dreg:$0x7];
	[sflag:s31] =	ssyncadd.s32 $0xFFFFF800  }
0xe0: {  	[hbm4b:s10+s3] =	stream.linear.scatter [tilespmem:s1], [sflag:$0x2], $0x800, $0x38;
	[tilespmem:$0x8900] =	vst v63  }
0xe1: {  	_ =	swait.ge [sflag:s13], $0x800  }
0xe2: {  	[sflag:s13] =	ssyncset.done $0x0  }
0xe3: {  	s8 =	rddreg [dreg:$0x8];
	[sflag:s13] =	ssyncadd.s32 $0xFFFFF800  }
0xe4: {  	[tilespmem:s2], [sflag:$0x2] =	stream.linear.gather [hbm4b:s8+s3], $0x8, $0x38;
	[tilespmem:$0x8900] =	vst v63  }
0xe5: {  	_ =	swait.ge [sflag:s13], $0x8  }
0xe6: {  	[sflag:s13] =	ssyncset.done $0x0  }
0xe7: {  	[sflag:s13] =	ssyncadd.s32 $0xFFFFFFF8  }
0xe8: {  	v3 =	vld.msk [tilespmem:$0x8080], $0xff;
	_ =	sdelay $0x4  }
0xe9: {  	v63 =	vshll.u32 v3, $0x1  }
0xea: {  	v3 =	vand.u32 $0x7, v3;
	v4 =	vand.u32 $0xFFFFFFF0, v63  }
0xeb: {  	v3 =	vor.u32 v3, v4  }
0xec: {  	v3 =	vperm.xlane v3, v0;
	_ =	sdelay $0x1  }
0xed: {  	v3 =	vadd.s32 v1, v3;
	_ =	sdelay $0x4  }
0xee: {  	[tilespmem:s1], [sflag:$0x1] =	stream.indirect_vreg.gather [hbm4b:s0+s3], $0x80, v3, vm0, $0xb8;
	[tilespmem:$0x8900] =	vst v63  }
0xef: {  	_ =	swait.ge [sflag:s31], $0x800  }
0xf0: {  	[sflag:s31] =	ssyncset.done $0x0  }
0xf1: {  	s9 =	rddreg [dreg:$0x9];
	[sflag:s31] =	ssyncadd.s32 $0xFFFFF800  }
0xf2: {  	[hbm4b:s9+s3] =	stream.linear.scatter [tilespmem:s1], [sflag:$0x2], $0x800, $0x38;
	[tilespmem:$0x8900] =	vst v63  }
0xf3: {  	_ =	swait.ge [sflag:s13], $0x800  }
0xf4: {  	s4 =	sadd.s32 $0x1, s4;
	s10 =	rddreg [dreg:$0xa]  }
0xf5: {  	p0 =	sne.s32 s4, s10  }
.Ltmp1:
0xf6: {  	_ = 	snop;
	(pc) =	sbr.rel @p0 .LBB2_1-.Ltmp1, $3  }
0xf7: {  	_ =	sdelay $0x1  }
0xf8: {  	[sflag:s13] =	ssyncset.done $0x0  }
0xf9: {  	[sflag:s13] =	ssyncadd.s32 $0xFFFFF800  }
0xfa: {  	_ =	sfence.sel $0x180000  }
0xfb: {  	[bflag:$0x0] =	sbarrier.arrive $0xFFFF  }
0xfc: {  	_ =	strace $0x90000047  }
0xfd: {  	s0 =	stileid.u32;
	[bflag:$0x2] =	sbarrier.arrive $0xFFFF  }
0xfe: {  	p0 =	sne.s32 s0, $0x0;
	s0 =	rddreg [dreg:$0x5]  }
0xff: {  	s0 =	sadd.s32 @!p0 $0x100000, s0  }
0x100: {  	[sflag:s0] =	ssyncadd.tile.s32 @!p0 $0x1;
	_ =	shalt  }
.Lfunc_end2:
_tile_overlayer_lowered:
.L_overlay_start_2:
0x101: {  	(tag) =	ssettag $0x2  }
0x102: {  	s0 =	rddreg [dreg:$0x0];
	s2 =	stileid.u32  }
0x103: {  	s1 =	rddreg [dreg:$0x1];
	p0 =	sne.s32 s2, $0x0  }
0x104: {  	s3 =	rddreg [dreg:$0x2];
	[bflag:$0x3] =	sbarrier.arrive $0xFFFF;
	s2 =	simm.s32 @!p0 $0x1C02  }
0x105: {  	[timem:s3], [sflag:s2] =	dma.local @!p0 [hbm:s0], s1  }
0x106: {  	s0 =	simm.s32 @!p0 $0x2  }
0x107: {  	_ =	swait.ge @!p0 [sflag:s0], s1  }
0x108: {  	s1 =	ssub.s32 @!p0 $0x0, s1;
	[sflag:s0] =	ssyncset.done @!p0 $0x0  }
0x109: {  	[sflag:s0] =	ssyncadd.s32 @!p0 s1  }
0x10a: {  	[bflag:$0x3] =	sbarrier.arrive $0xFFFF  }
0x10b: {  	_ =	shalt  }

</sc_bundles>
